<compile_context>
chip_gen: v7x
topology: tpu7x:2x2x1
jax: 0.10.2.dev20260603
libtpu: 0.0.44.dev20260713+nightly
codegen_flags: <defaults>
</compile_context>

<pallas_src>
import functools

import jax
import jax.numpy as jnp
from jax import lax
from jax.experimental import pallas as pl
from jax.experimental.pallas import tpu as pltpu
from jax.experimental.pallas import tpu_sc as plsc

PAD = -100
_BATCH = 4
_SEQ = 8192
_NC, _NS, _L = 1, 16, 16
_NW = _NC * _NS
_BLK = _SEQ // _NW
_TILE = 128

_mesh = plsc.VectorSubcoreMesh(core_axis_name="c", subcore_axis_name="s",
                               num_cores=_NC)


@functools.partial(
    pl.kernel,
    out_type=(
        jax.ShapeDtypeStruct((_BATCH, _SEQ), jnp.int32),
        jax.ShapeDtypeStruct((_BATCH, _SEQ), jnp.int32),
        jax.ShapeDtypeStruct((_BATCH, _SEQ), jnp.int32),
    ),
    mesh=_mesh,
    scratch_types=[
        pltpu.VMEM((_BATCH, _BLK + _TILE), jnp.int32),
        pltpu.VMEM((_BATCH, _BLK), jnp.int32),
        pltpu.VMEM((_BATCH, _BLK), jnp.int32),
        pltpu.SemaphoreType.DMA,
        pltpu.SemaphoreType.DMA,
    ],
)
def _sc_process(in_hbm, masked_hbm, clm_hbm, den_hbm, buf, pad_buf, shift_buf,
                sem_in, sem_out):
    wid = lax.axis_index("s") * _NC + lax.axis_index("c")
    col = wid * _BLK
    is_last = wid == _NW - 1

    @pl.when(jnp.logical_not(is_last))
    def _():
        pltpu.async_copy(in_hbm.at[:, pl.ds(col, _BLK + _TILE)], buf,
                         sem_in).wait()

    @pl.when(is_last)
    def _():
        for r in range(_BATCH):
            buf[r, pl.ds(_BLK, _L)] = jnp.full((_L,), PAD, jnp.int32)
        pltpu.async_copy(in_hbm.at[:, pl.ds(col, _BLK)],
                         buf.at[:, pl.ds(0, _BLK)], sem_in).wait()

    pltpu.async_copy(buf.at[:, pl.ds(0, _BLK)],
                     masked_hbm.at[:, pl.ds(col, _BLK)], sem_out)

    is_suffix = wid >= _NW // 2

    @pl.when(is_suffix)
    def _():
        pltpu.async_copy(buf.at[:, pl.ds(0, _BLK)],
                         den_hbm.at[:, pl.ds(col, _BLK)], sem_out)

    @pl.when(jnp.logical_not(is_suffix))
    def _():
        def fill(j, carry):
            for r in range(_BATCH):
                pad_buf[r, pl.ds(j * _L, _L)] = jnp.full((_L,), PAD, jnp.int32)
            return carry

        lax.fori_loop(0, _BLK // _L, fill, 0)
        pltpu.async_copy(pad_buf, den_hbm.at[:, pl.ds(col, _BLK)], sem_out)

    lanes = lax.iota(jnp.int32, _L)
    roll_idx = lax.rem(lanes + 1, _L)
    not_last_lane = lanes < _L - 1

    def _roll1(v):
        return lax.gather(
            v, roll_idx[:, None],
            lax.GatherDimensionNumbers(offset_dims=(),
                                       collapsed_slice_dims=(0,),
                                       start_index_map=(0,)),
            (1,), mode=lax.GatherScatterMode.PROMISE_IN_BOUNDS)

    def shift(j, carry):
        for r in range(_BATCH):
            a = buf[r, pl.ds(j * _L, _L)]
            b = buf[r, pl.ds(j * _L + _L, _L)]
            shift_buf[r, pl.ds(j * _L, _L)] = jnp.where(
                not_last_lane, _roll1(a), _roll1(b))
        return carry

    lax.fori_loop(0, _BLK // _L, shift, 0)
    pltpu.async_copy(shift_buf, clm_hbm.at[:, pl.ds(col, _BLK)], sem_out)

    for _ in range(3):
        pltpu.make_async_copy(shift_buf, clm_hbm.at[:, pl.ds(col, _BLK)],
                              sem_out).wait()


def kernel(input_ids):
    return _sc_process(input_ids)

# --- scband reference (transcript-rebuilt; emitter-appended) ---
"""Pipeline reference for scband-ul2-data-processor-37864431681861 (READ-ONLY COPY).

The authoritative reference and input builder live on the scoring server;
editing this copy changes nothing except your own understanding.
"""

import jax, jax.numpy as jnp
import numpy as np

BATCH = 4
SEQ_LEN = 8192
VOCAB = 32000
PAD_TOKEN_ID = -100
PREFIX_RATIO = 0.5  # prefix_ratio_range fixed to (0.5, 0.5) in init_kwargs -> deterministic


def setup_inputs(seed: int = 0) -> dict:
    key = jax.random.key(seed)
    input_ids = jax.random.randint(key, (BATCH, SEQ_LEN), 0, VOCAB, dtype=jnp.int32)
    return {"input_ids": input_ids}


def reference(input_ids):
    # UL2DataProcessor with non-dynamic schedule and objective_mix=['R'] always applies
    # the Prefix-LM (R) objective on training_step 0.
    batch, seq_len = input_ids.shape
    # 1) Causal LM labels (shifted inputs, last position padded)
    clm_labels = jnp.concatenate(
        [input_ids[:, 1:], jnp.full((batch, 1), PAD_TOKEN_ID, dtype=input_ids.dtype)],
        axis=1,
    )
    # 2) Prefix-LM denoising labels: prefix positions -> pad, suffix positions -> token ids.
    prefix_len = max(1, int(PREFIX_RATIO * seq_len))
    pos = jnp.arange(seq_len)
    suffix_mask = pos >= prefix_len  # [seq_len]
    denoising_labels = jnp.where(
        suffix_mask[None, :], input_ids, jnp.full_like(input_ids, PAD_TOKEN_ID)
    )
    # For the R task, input_ids are returned unchanged (masked_inputs = inputs).
    masked_inputs = input_ids
    return (masked_inputs, clm_labels, denoising_labels)

if __name__ == "__main__":
    import jax
    _d = setup_inputs()
    print(jax.jit(kernel)(*tuple(_d.values())))

</pallas_src>

<mosaic_0001>
#map = affine_map<(d0, d1) -> (0, 0)>
module attributes {stable_mosaic.version = 14 : i64} {
  func.func @_sc_process(%arg0: i32, %arg1: i32, %arg2: memref<4x8192xi32, #tpu.memory_space<hbm>>, %arg3: memref<4x8192xi32, #tpu.memory_space<hbm>>, %arg4: memref<4x8192xi32, #tpu.memory_space<hbm>>, %arg5: memref<4x8192xi32, #tpu.memory_space<hbm>>, %arg6: memref<4x640xi32, #tpu.memory_space<vmem>>, %arg7: memref<4x512xi32, #tpu.memory_space<vmem>>, %arg8: memref<4x512xi32, #tpu.memory_space<vmem>>, %arg9: memref<!tpu.dma_semaphore, #tpu.memory_space<semaphore_mem>>, %arg10: memref<!tpu.dma_semaphore, #tpu.memory_space<semaphore_mem>>) attributes {dimension_semantics = [#tpu.dimension_semantics<core_parallel>, #tpu.dimension_semantics<subcore_parallel>], iteration_bounds = array<i64: 1, 16>, scalar_prefetch = 0 : i64, scratch_operands = 5 : i64, tpu.core_type = #tpu.core_type<sc_vector_subcore>, window_params = [{transform_indices = #map}, {transform_indices = #map}, {transform_indices = #map}, {transform_indices = #map}]} {
    %mul3A = arith.constant 1 : i32
    %mul3A_0 = arith.muli %arg1, %mul3A : i32
    %add3A = arith.addi %mul3A_0, %arg0 : i32
    %mul3A_1 = arith.constant 512 : i32
    %mul3A_2 = arith.muli %add3A, %mul3A_1 : i32
    %eq3A = arith.constant 15 : i32
    %eq3A_3 = arith.cmpi eq, %add3A, %eq3A : i32
    %not3A = arith.constant true
    %not3A_4 = arith.xori %eq3A_3, %not3A : i1
    %convert_element_type3A = arith.extui %not3A_4 : i1 to i32
    %cond3A = arith.constant 0 : i32
    %cond3A_5 = arith.cmpi ne, %convert_element_type3A, %cond3A : i32
    scf.if %cond3A_5 {
      %dma_start3A_54 = arith.constant 0 : i32
      %dma_start3A_55 = tpu.memref_slice %arg2[%dma_start3A_54, %mul3A_2] : memref<4x8192xi32, #tpu.memory_space<hbm>> -> memref<4x640xi32, #tpu.memory_space<hbm>>
      %dma_start3A_56 = arith.constant 0 : i32
      %dma_start3A_57 = tpu.memref_slice %arg2[%dma_start3A_56, %mul3A_2] : memref<4x8192xi32, #tpu.memory_space<hbm>> -> memref<4x640xi32, #tpu.memory_space<hbm>>
      tpu.enqueue_dma source(%dma_start3A_57 : memref<4x640xi32, #tpu.memory_space<hbm>>) target(%arg6 : memref<4x640xi32, #tpu.memory_space<vmem>>) target_semaphore(%arg9 : memref<!tpu.dma_semaphore, #tpu.memory_space<semaphore_mem>>)
      %dma_wait3A_58 = arith.constant 0 : i32
      %dma_wait3A_59 = tpu.memref_slice %arg2[%dma_wait3A_58, %mul3A_2] : memref<4x8192xi32, #tpu.memory_space<hbm>> -> memref<4x640xi32, #tpu.memory_space<hbm>>
      %dma_wait3A_60 = arith.constant 0 : i32
      %dma_wait3A_61 = tpu.memref_slice %arg2[%dma_wait3A_60, %mul3A_2] : memref<4x8192xi32, #tpu.memory_space<hbm>> -> memref<4x640xi32, #tpu.memory_space<hbm>>
      tpu.wait_dma2 semaphore(%arg9 : memref<!tpu.dma_semaphore, #tpu.memory_space<semaphore_mem>>) src(%dma_wait3A_61 : memref<4x640xi32, #tpu.memory_space<hbm>>) dst(%arg6 : memref<4x640xi32, #tpu.memory_space<vmem>>)
    } else {
    }
    %convert_element_type3A_6 = arith.extui %eq3A_3 : i1 to i32
    %cond3A_7 = arith.constant 0 : i32
    %cond3A_8 = arith.cmpi ne, %convert_element_type3A_6, %cond3A_7 : i32
    scf.if %cond3A_8 {
      %broadcast_in_dim3A = arith.constant -100 : i32
      %broadcast_in_dim3A_54 = vector.broadcast %broadcast_in_dim3A : i32 to vector<16xi32>
      %swap3A = arith.constant 0 : i32
      %swap3A_55 = arith.index_cast %swap3A : i32 to index
      %swap3A_56 = arith.constant 512 : index
      %swap3A_57 = tpu.vector_load %arg6[%swap3A_55, %swap3A_56] {strides = array<i32>} : memref<4x640xi32, #tpu.memory_space<vmem>>, vector<1x16xi32>,
      %swap3A_58 = vector.shape_cast %swap3A_57 : vector<1x16xi32> to vector<16xi32>
      %swap3A_59 = vector.shape_cast %broadcast_in_dim3A_54 : vector<16xi32> to vector<1x16xi32>
      tpu.vector_store %arg6[%swap3A_55, %swap3A_56], %swap3A_59 {strides = array<i32>} : memref<4x640xi32, #tpu.memory_space<vmem>>, vector<1x16xi32>,
      %broadcast_in_dim3A_60 = arith.constant -100 : i32
      %broadcast_in_dim3A_61 = vector.broadcast %broadcast_in_dim3A_60 : i32 to vector<16xi32>
      %swap3A_62 = arith.constant 1 : i32
      %swap3A_63 = arith.index_cast %swap3A_62 : i32 to index
      %swap3A_64 = arith.constant 512 : index
      %swap3A_65 = tpu.vector_load %arg6[%swap3A_63, %swap3A_64] {strides = array<i32>} : memref<4x640xi32, #tpu.memory_space<vmem>>, vector<1x16xi32>,
      %swap3A_66 = vector.shape_cast %swap3A_65 : vector<1x16xi32> to vector<16xi32>
      %swap3A_67 = vector.shape_cast %broadcast_in_dim3A_61 : vector<16xi32> to vector<1x16xi32>
      tpu.vector_store %arg6[%swap3A_63, %swap3A_64], %swap3A_67 {strides = array<i32>} : memref<4x640xi32, #tpu.memory_space<vmem>>, vector<1x16xi32>,
      %broadcast_in_dim3A_68 = arith.constant -100 : i32
      %broadcast_in_dim3A_69 = vector.broadcast %broadcast_in_dim3A_68 : i32 to vector<16xi32>
      %swap3A_70 = arith.constant 2 : i32
      %swap3A_71 = arith.index_cast %swap3A_70 : i32 to index
      %swap3A_72 = arith.constant 512 : index
      %swap3A_73 = tpu.vector_load %arg6[%swap3A_71, %swap3A_72] {strides = array<i32>} : memref<4x640xi32, #tpu.memory_space<vmem>>, vector<1x16xi32>,
      %swap3A_74 = vector.shape_cast %swap3A_73 : vector<1x16xi32> to vector<16xi32>
      %swap3A_75 = vector.shape_cast %broadcast_in_dim3A_69 : vector<16xi32> to vector<1x16xi32>
      tpu.vector_store %arg6[%swap3A_71, %swap3A_72], %swap3A_75 {strides = array<i32>} : memref<4x640xi32, #tpu.memory_space<vmem>>, vector<1x16xi32>,
      %broadcast_in_dim3A_76 = arith.constant -100 : i32
      %broadcast_in_dim3A_77 = vector.broadcast %broadcast_in_dim3A_76 : i32 to vector<16xi32>
      %swap3A_78 = arith.constant 3 : i32
      %swap3A_79 = arith.index_cast %swap3A_78 : i32 to index
      %swap3A_80 = arith.constant 512 : index
      %swap3A_81 = tpu.vector_load %arg6[%swap3A_79, %swap3A_80] {strides = array<i32>} : memref<4x640xi32, #tpu.memory_space<vmem>>, vector<1x16xi32>,
      %swap3A_82 = vector.shape_cast %swap3A_81 : vector<1x16xi32> to vector<16xi32>
      %swap3A_83 = vector.shape_cast %broadcast_in_dim3A_77 : vector<16xi32> to vector<1x16xi32>
      tpu.vector_store %arg6[%swap3A_79, %swap3A_80], %swap3A_83 {strides = array<i32>} : memref<4x640xi32, #tpu.memory_space<vmem>>, vector<1x16xi32>,
      %dma_start3A_84 = arith.constant 0 : i32
      %dma_start3A_85 = arith.constant 0 : i32
      %dma_start3A_86 = tpu.memref_slice %arg6[%dma_start3A_84, %dma_start3A_85] : memref<4x640xi32, #tpu.memory_space<vmem>> -> memref<4x512xi32, #tpu.memory_space<vmem>>
      %dma_start3A_87 = arith.constant 0 : i32
      %dma_start3A_88 = tpu.memref_slice %arg2[%dma_start3A_87, %mul3A_2] : memref<4x8192xi32, #tpu.memory_space<hbm>> -> memref<4x512xi32, #tpu.memory_space<hbm>>
      %dma_start3A_89 = arith.constant 0 : i32
      %dma_start3A_90 = arith.constant 0 : i32
      %dma_start3A_91 = tpu.memref_slice %arg6[%dma_start3A_89, %dma_start3A_90] : memref<4x640xi32, #tpu.memory_space<vmem>> -> memref<4x512xi32, #tpu.memory_space<vmem>>
      %dma_start3A_92 = arith.constant 0 : i32
      %dma_start3A_93 = tpu.memref_slice %arg2[%dma_start3A_92, %mul3A_2] : memref<4x8192xi32, #tpu.memory_space<hbm>> -> memref<4x512xi32, #tpu.memory_space<hbm>>
      tpu.enqueue_dma source(%dma_start3A_93 : memref<4x512xi32, #tpu.memory_space<hbm>>) target(%dma_start3A_91 : memref<4x512xi32, #tpu.memory_space<vmem>>) target_semaphore(%arg9 : memref<!tpu.dma_semaphore, #tpu.memory_space<semaphore_mem>>)
      %dma_wait3A_94 = arith.constant 0 : i32
      %dma_wait3A_95 = arith.constant 0 : i32
      %dma_wait3A_96 = tpu.memref_slice %arg6[%dma_wait3A_94, %dma_wait3A_95] : memref<4x640xi32, #tpu.memory_space<vmem>> -> memref<4x512xi32, #tpu.memory_space<vmem>>
      %dma_wait3A_97 = arith.constant 0 : i32
      %dma_wait3A_98 = tpu.memref_slice %arg2[%dma_wait3A_97, %mul3A_2] : memref<4x8192xi32, #tpu.memory_space<hbm>> -> memref<4x512xi32, #tpu.memory_space<hbm>>
      %dma_wait3A_99 = arith.constant 0 : i32
      %dma_wait3A_100 = arith.constant 0 : i32
      %dma_wait3A_101 = tpu.memref_slice %arg6[%dma_wait3A_99, %dma_wait3A_100] : memref<4x640xi32, #tpu.memory_space<vmem>> -> memref<4x512xi32, #tpu.memory_space<vmem>>
      %dma_wait3A_102 = arith.constant 0 : i32
      %dma_wait3A_103 = tpu.memref_slice %arg2[%dma_wait3A_102, %mul3A_2] : memref<4x8192xi32, #tpu.memory_space<hbm>> -> memref<4x512xi32, #tpu.memory_space<hbm>>
      tpu.wait_dma2 semaphore(%arg9 : memref<!tpu.dma_semaphore, #tpu.memory_space<semaphore_mem>>) src(%dma_wait3A_103 : memref<4x512xi32, #tpu.memory_space<hbm>>) dst(%dma_wait3A_101 : memref<4x512xi32, #tpu.memory_space<vmem>>)
    } else {
    }
    %dma_start3A = arith.constant 0 : i32
    %dma_start3A_9 = arith.constant 0 : i32
    %dma_start3A_10 = tpu.memref_slice %arg6[%dma_start3A, %dma_start3A_9] : memref<4x640xi32, #tpu.memory_space<vmem>> -> memref<4x512xi32, #tpu.memory_space<vmem>>
    %dma_start3A_11 = arith.constant 0 : i32
    %dma_start3A_12 = tpu.memref_slice %arg3[%dma_start3A_11, %mul3A_2] : memref<4x8192xi32, #tpu.memory_space<hbm>> -> memref<4x512xi32, #tpu.memory_space<hbm>>
    %dma_start3A_13 = arith.constant 0 : i32
    %dma_start3A_14 = tpu.memref_slice %arg3[%dma_start3A_13, %mul3A_2] : memref<4x8192xi32, #tpu.memory_space<hbm>> -> memref<4x512xi32, #tpu.memory_space<hbm>>
    %dma_start3A_15 = arith.constant 0 : i32
    %dma_start3A_16 = arith.constant 0 : i32
    %dma_start3A_17 = tpu.memref_slice %arg6[%dma_start3A_15, %dma_start3A_16] : memref<4x640xi32, #tpu.memory_space<vmem>> -> memref<4x512xi32, #tpu.memory_space<vmem>>
    tpu.enqueue_dma source(%dma_start3A_17 : memref<4x512xi32, #tpu.memory_space<vmem>>) target(%dma_start3A_14 : memref<4x512xi32, #tpu.memory_space<hbm>>) target_semaphore(%arg10 : memref<!tpu.dma_semaphore, #tpu.memory_space<semaphore_mem>>)
    %ge3A = arith.constant 8 : i32
    %ge3A_18 = arith.cmpi sge, %add3A, %ge3A : i32
    %convert_element_type3A_19 = arith.extui %ge3A_18 : i1 to i32
    %cond3A_20 = arith.constant 0 : i32
    %cond3A_21 = arith.cmpi ne, %convert_element_type3A_19, %cond3A_20 : i32
    scf.if %cond3A_21 {
      %dma_start3A_54 = arith.constant 0 : i32
      %dma_start3A_55 = arith.constant 0 : i32
      %dma_start3A_56 = tpu.memref_slice %arg6[%dma_start3A_54, %dma_start3A_55] : memref<4x640xi32, #tpu.memory_space<vmem>> -> memref<4x512xi32, #tpu.memory_space<vmem>>
      %dma_start3A_57 = arith.constant 0 : i32
      %dma_start3A_58 = tpu.memref_slice %arg5[%dma_start3A_57, %mul3A_2] : memref<4x8192xi32, #tpu.memory_space<hbm>> -> memref<4x512xi32, #tpu.memory_space<hbm>>
      %dma_start3A_59 = arith.constant 0 : i32
      %dma_start3A_60 = tpu.memref_slice %arg5[%dma_start3A_59, %mul3A_2] : memref<4x8192xi32, #tpu.memory_space<hbm>> -> memref<4x512xi32, #tpu.memory_space<hbm>>
      %dma_start3A_61 = arith.constant 0 : i32
      %dma_start3A_62 = arith.constant 0 : i32
      %dma_start3A_63 = tpu.memref_slice %arg6[%dma_start3A_61, %dma_start3A_62] : memref<4x640xi32, #tpu.memory_space<vmem>> -> memref<4x512xi32, #tpu.memory_space<vmem>>
      tpu.enqueue_dma source(%dma_start3A_63 : memref<4x512xi32, #tpu.memory_space<vmem>>) target(%dma_start3A_60 : memref<4x512xi32, #tpu.memory_space<hbm>>) target_semaphore(%arg10 : memref<!tpu.dma_semaphore, #tpu.memory_space<semaphore_mem>>)
    } else {
    }
    %not3A_22 = arith.constant true
    %not3A_23 = arith.xori %ge3A_18, %not3A_22 : i1
    %convert_element_type3A_24 = arith.extui %not3A_23 : i1 to i32
    %cond3A_25 = arith.constant 0 : i32
    %cond3A_26 = arith.cmpi ne, %convert_element_type3A_24, %cond3A_25 : i32
    scf.if %cond3A_26 {
      %scan3A_54 = arith.constant 0 : i32
      %scan3A_55 = arith.constant 0 : i32
      %scan3A_56 = arith.constant 32 : i32
      %scan3A_57 = arith.addi %scan3A_55, %scan3A_56 : i32
      %scan3A_58 = arith.constant 1 : i32
      scf.for %scan3A_64 = %scan3A_55 to %scan3A_57 step %scan3A_58  : i32 {
        %broadcast_in_dim3A = arith.constant -100 : i32
        %broadcast_in_dim3A_65 = vector.broadcast %broadcast_in_dim3A : i32 to vector<16xi32>
        %mul3A_66 = arith.constant 16 : i32
        %mul3A_67 = arith.muli %scan3A_64, %mul3A_66 : i32
        %swap3A = arith.constant 0 : i32
        %swap3A_68 = arith.index_cast %swap3A : i32 to index
        %swap3A_69 = arith.index_cast %mul3A_67 : i32 to index
        %swap3A_70 = tpu.vector_load %arg7[%swap3A_68, %swap3A_69] {strides = array<i32>} : memref<4x512xi32, #tpu.memory_space<vmem>>, vector<1x16xi32>,
        %swap3A_71 = vector.shape_cast %swap3A_70 : vector<1x16xi32> to vector<16xi32>
        %swap3A_72 = vector.shape_cast %broadcast_in_dim3A_65 : vector<16xi32> to vector<1x16xi32>
        tpu.vector_store %arg7[%swap3A_68, %swap3A_69], %swap3A_72 {strides = array<i32>} : memref<4x512xi32, #tpu.memory_space<vmem>>, vector<1x16xi32>,
        %broadcast_in_dim3A_73 = arith.constant -100 : i32
        %broadcast_in_dim3A_74 = vector.broadcast %broadcast_in_dim3A_73 : i32 to vector<16xi32>
        %mul3A_75 = arith.constant 16 : i32
        %mul3A_76 = arith.muli %scan3A_64, %mul3A_75 : i32
        %swap3A_77 = arith.constant 1 : i32
        %swap3A_78 = arith.index_cast %swap3A_77 : i32 to index
        %swap3A_79 = arith.index_cast %mul3A_76 : i32 to index
        %swap3A_80 = tpu.vector_load %arg7[%swap3A_78, %swap3A_79] {strides = array<i32>} : memref<4x512xi32, #tpu.memory_space<vmem>>, vector<1x16xi32>,
        %swap3A_81 = vector.shape_cast %swap3A_80 : vector<1x16xi32> to vector<16xi32>
        %swap3A_82 = vector.shape_cast %broadcast_in_dim3A_74 : vector<16xi32> to vector<1x16xi32>
        tpu.vector_store %arg7[%swap3A_78, %swap3A_79], %swap3A_82 {strides = array<i32>} : memref<4x512xi32, #tpu.memory_space<vmem>>, vector<1x16xi32>,
        %broadcast_in_dim3A_83 = arith.constant -100 : i32
        %broadcast_in_dim3A_84 = vector.broadcast %broadcast_in_dim3A_83 : i32 to vector<16xi32>
        %mul3A_85 = arith.constant 16 : i32
        %mul3A_86 = arith.muli %scan3A_64, %mul3A_85 : i32
        %swap3A_87 = arith.constant 2 : i32
        %swap3A_88 = arith.index_cast %swap3A_87 : i32 to index
        %swap3A_89 = arith.index_cast %mul3A_86 : i32 to index
        %swap3A_90 = tpu.vector_load %arg7[%swap3A_88, %swap3A_89] {strides = array<i32>} : memref<4x512xi32, #tpu.memory_space<vmem>>, vector<1x16xi32>,
        %swap3A_91 = vector.shape_cast %swap3A_90 : vector<1x16xi32> to vector<16xi32>
        %swap3A_92 = vector.shape_cast %broadcast_in_dim3A_84 : vector<16xi32> to vector<1x16xi32>
        tpu.vector_store %arg7[%swap3A_88, %swap3A_89], %swap3A_92 {strides = array<i32>} : memref<4x512xi32, #tpu.memory_space<vmem>>, vector<1x16xi32>,
        %broadcast_in_dim3A_93 = arith.constant -100 : i32
        %broadcast_in_dim3A_94 = vector.broadcast %broadcast_in_dim3A_93 : i32 to vector<16xi32>
        %mul3A_95 = arith.constant 16 : i32
        %mul3A_96 = arith.muli %scan3A_64, %mul3A_95 : i32
        %swap3A_97 = arith.constant 3 : i32
        %swap3A_98 = arith.index_cast %swap3A_97 : i32 to index
        %swap3A_99 = arith.index_cast %mul3A_96 : i32 to index
        %swap3A_100 = tpu.vector_load %arg7[%swap3A_98, %swap3A_99] {strides = array<i32>} : memref<4x512xi32, #tpu.memory_space<vmem>>, vector<1x16xi32>,
        %swap3A_101 = vector.shape_cast %swap3A_100 : vector<1x16xi32> to vector<16xi32>
        %swap3A_102 = vector.shape_cast %broadcast_in_dim3A_94 : vector<16xi32> to vector<1x16xi32>
        tpu.vector_store %arg7[%swap3A_98, %swap3A_99], %swap3A_102 {strides = array<i32>} : memref<4x512xi32, #tpu.memory_space<vmem>>, vector<1x16xi32>,
      }
      %scan3A_59 = arith.constant 32 : i32
      %dma_start3A_60 = arith.constant 0 : i32
      %dma_start3A_61 = tpu.memref_slice %arg5[%dma_start3A_60, %mul3A_2] : memref<4x8192xi32, #tpu.memory_space<hbm>> -> memref<4x512xi32, #tpu.memory_space<hbm>>
      %dma_start3A_62 = arith.constant 0 : i32
      %dma_start3A_63 = tpu.memref_slice %arg5[%dma_start3A_62, %mul3A_2] : memref<4x8192xi32, #tpu.memory_space<hbm>> -> memref<4x512xi32, #tpu.memory_space<hbm>>
      tpu.enqueue_dma source(%arg7 : memref<4x512xi32, #tpu.memory_space<vmem>>) target(%dma_start3A_63 : memref<4x512xi32, #tpu.memory_space<hbm>>) target_semaphore(%arg10 : memref<!tpu.dma_semaphore, #tpu.memory_space<semaphore_mem>>)
    } else {
    }
    %iota3A = tpu.iota {dimensions = array<i32: 0>} : vector<16xi32>
    %add3A_27 = arith.constant 1 : i32
    %add3A_28 = vector.broadcast %add3A_27 : i32 to vector<16xi32>
    %add3A_29 = arith.addi %iota3A, %add3A_28 : vector<16xi32>
    %rem3A = arith.constant 16 : i32
    %rem3A_30 = vector.broadcast %rem3A : i32 to vector<16xi32>
    %rem3A_31 = arith.remsi %add3A_29, %rem3A_30 : vector<16xi32>
    %lt3A = arith.constant 15 : i32
    %lt3A_32 = vector.broadcast %lt3A : i32 to vector<16xi32>
    %lt3A_33 = arith.cmpi slt, %iota3A, %lt3A_32 : vector<16xi32>
    %scan3A = arith.constant 0 : i32
    %scan3A_34 = arith.constant 0 : i32
    %scan3A_35 = arith.constant 32 : i32
    %scan3A_36 = arith.addi %scan3A_34, %scan3A_35 : i32
    %scan3A_37 = arith.constant 1 : i32
    scf.for %scan3A_54 = %scan3A_34 to %scan3A_36 step %scan3A_37  : i32 {
      %mul3A_55 = arith.constant 16 : i32
      %mul3A_56 = arith.muli %scan3A_54, %mul3A_55 : i32
      %get3A = arith.constant 0 : i32
      %get3A_57 = arith.index_cast %get3A : i32 to index
      %get3A_58 = arith.index_cast %mul3A_56 : i32 to index
      %get3A_59 = tpu.vector_load %arg6[%get3A_57, %get3A_58] {strides = array<i32>} : memref<4x640xi32, #tpu.memory_space<vmem>>, vector<1x16xi32>,
      %get3A_60 = vector.shape_cast %get3A_59 : vector<1x16xi32> to vector<16xi32>
      %mul3A_61 = arith.constant 16 : i32
      %mul3A_62 = arith.muli %scan3A_54, %mul3A_61 : i32
      %add3A_63 = arith.constant 16 : i32
      %add3A_64 = arith.addi %mul3A_62, %add3A_63 : i32
      %get3A_65 = arith.constant 0 : i32
      %get3A_66 = arith.index_cast %get3A_65 : i32 to index
      %get3A_67 = arith.index_cast %add3A_64 : i32 to index
      %get3A_68 = tpu.vector_load %arg6[%get3A_66, %get3A_67] {strides = array<i32>} : memref<4x640xi32, #tpu.memory_space<vmem>>, vector<1x16xi32>,
      %get3A_69 = vector.shape_cast %get3A_68 : vector<1x16xi32> to vector<16xi32>
      %broadcast_in_dim3A = vector.shape_cast %rem3A_31 : vector<16xi32> to vector<16x1xi32>
      %gather3A = vector.shape_cast %broadcast_in_dim3A : vector<16x1xi32> to vector<16xi32>
      %gather3A_70 = tpu.dynamic_gather %get3A_60[%gather3A] in [0] : vector<16xi32>, vector<16xi32> -> vector<16xi32>
      %broadcast_in_dim3A_71 = vector.shape_cast %rem3A_31 : vector<16xi32> to vector<16x1xi32>
      %gather3A_72 = vector.shape_cast %broadcast_in_dim3A_71 : vector<16x1xi32> to vector<16xi32>
      %gather3A_73 = tpu.dynamic_gather %get3A_69[%gather3A_72] in [0] : vector<16xi32>, vector<16xi32> -> vector<16xi32>
      %select_n3A = arith.select %lt3A_33, %gather3A_70, %gather3A_73 : vector<16xi1>, vector<16xi32>
      %mul3A_74 = arith.constant 16 : i32
      %mul3A_75 = arith.muli %scan3A_54, %mul3A_74 : i32
      %swap3A = arith.constant 0 : i32
      %swap3A_76 = arith.index_cast %swap3A : i32 to index
      %swap3A_77 = arith.index_cast %mul3A_75 : i32 to index
      %swap3A_78 = tpu.vector_load %arg8[%swap3A_76, %swap3A_77] {strides = array<i32>} : memref<4x512xi32, #tpu.memory_space<vmem>>, vector<1x16xi32>,
      %swap3A_79 = vector.shape_cast %swap3A_78 : vector<1x16xi32> to vector<16xi32>
      %swap3A_80 = vector.shape_cast %select_n3A : vector<16xi32> to vector<1x16xi32>
      tpu.vector_store %arg8[%swap3A_76, %swap3A_77], %swap3A_80 {strides = array<i32>} : memref<4x512xi32, #tpu.memory_space<vmem>>, vector<1x16xi32>,
      %mul3A_81 = arith.constant 16 : i32
      %mul3A_82 = arith.muli %scan3A_54, %mul3A_81 : i32
      %get3A_83 = arith.constant 1 : i32
      %get3A_84 = arith.index_cast %get3A_83 : i32 to index
      %get3A_85 = arith.index_cast %mul3A_82 : i32 to index
      %get3A_86 = tpu.vector_load %arg6[%get3A_84, %get3A_85] {strides = array<i32>} : memref<4x640xi32, #tpu.memory_space<vmem>>, vector<1x16xi32>,
      %get3A_87 = vector.shape_cast %get3A_86 : vector<1x16xi32> to vector<16xi32>
      %mul3A_88 = arith.constant 16 : i32
      %mul3A_89 = arith.muli %scan3A_54, %mul3A_88 : i32
      %add3A_90 = arith.constant 16 : i32
      %add3A_91 = arith.addi %mul3A_89, %add3A_90 : i32
      %get3A_92 = arith.constant 1 : i32
      %get3A_93 = arith.index_cast %get3A_92 : i32 to index
      %get3A_94 = arith.index_cast %add3A_91 : i32 to index
      %get3A_95 = tpu.vector_load %arg6[%get3A_93, %get3A_94] {strides = array<i32>} : memref<4x640xi32, #tpu.memory_space<vmem>>, vector<1x16xi32>,
      %get3A_96 = vector.shape_cast %get3A_95 : vector<1x16xi32> to vector<16xi32>
      %broadcast_in_dim3A_97 = vector.shape_cast %rem3A_31 : vector<16xi32> to vector<16x1xi32>
      %gather3A_98 = vector.shape_cast %broadcast_in_dim3A_97 : vector<16x1xi32> to vector<16xi32>
      %gather3A_99 = tpu.dynamic_gather %get3A_87[%gather3A_98] in [0] : vector<16xi32>, vector<16xi32> -> vector<16xi32>
      %broadcast_in_dim3A_100 = vector.shape_cast %rem3A_31 : vector<16xi32> to vector<16x1xi32>
      %gather3A_101 = vector.shape_cast %broadcast_in_dim3A_100 : vector<16x1xi32> to vector<16xi32>
      %gather3A_102 = tpu.dynamic_gather %get3A_96[%gather3A_101] in [0] : vector<16xi32>, vector<16xi32> -> vector<16xi32>
      %select_n3A_103 = arith.select %lt3A_33, %gather3A_99, %gather3A_102 : vector<16xi1>, vector<16xi32>
      %mul3A_104 = arith.constant 16 : i32
      %mul3A_105 = arith.muli %scan3A_54, %mul3A_104 : i32
      %swap3A_106 = arith.constant 1 : i32
      %swap3A_107 = arith.index_cast %swap3A_106 : i32 to index
      %swap3A_108 = arith.index_cast %mul3A_105 : i32 to index
      %swap3A_109 = tpu.vector_load %arg8[%swap3A_107, %swap3A_108] {strides = array<i32>} : memref<4x512xi32, #tpu.memory_space<vmem>>, vector<1x16xi32>,
      %swap3A_110 = vector.shape_cast %swap3A_109 : vector<1x16xi32> to vector<16xi32>
      %swap3A_111 = vector.shape_cast %select_n3A_103 : vector<16xi32> to vector<1x16xi32>
      tpu.vector_store %arg8[%swap3A_107, %swap3A_108], %swap3A_111 {strides = array<i32>} : memref<4x512xi32, #tpu.memory_space<vmem>>, vector<1x16xi32>,
      %mul3A_112 = arith.constant 16 : i32
      %mul3A_113 = arith.muli %scan3A_54, %mul3A_112 : i32
      %get3A_114 = arith.constant 2 : i32
      %get3A_115 = arith.index_cast %get3A_114 : i32 to index
      %get3A_116 = arith.index_cast %mul3A_113 : i32 to index
      %get3A_117 = tpu.vector_load %arg6[%get3A_115, %get3A_116] {strides = array<i32>} : memref<4x640xi32, #tpu.memory_space<vmem>>, vector<1x16xi32>,
      %get3A_118 = vector.shape_cast %get3A_117 : vector<1x16xi32> to vector<16xi32>
      %mul3A_119 = arith.constant 16 : i32
      %mul3A_120 = arith.muli %scan3A_54, %mul3A_119 : i32
      %add3A_121 = arith.constant 16 : i32
      %add3A_122 = arith.addi %mul3A_120, %add3A_121 : i32
      %get3A_123 = arith.constant 2 : i32
      %get3A_124 = arith.index_cast %get3A_123 : i32 to index
      %get3A_125 = arith.index_cast %add3A_122 : i32 to index
      %get3A_126 = tpu.vector_load %arg6[%get3A_124, %get3A_125] {strides = array<i32>} : memref<4x640xi32, #tpu.memory_space<vmem>>, vector<1x16xi32>,
      %get3A_127 = vector.shape_cast %get3A_126 : vector<1x16xi32> to vector<16xi32>
      %broadcast_in_dim3A_128 = vector.shape_cast %rem3A_31 : vector<16xi32> to vector<16x1xi32>
      %gather3A_129 = vector.shape_cast %broadcast_in_dim3A_128 : vector<16x1xi32> to vector<16xi32>
      %gather3A_130 = tpu.dynamic_gather %get3A_118[%gather3A_129] in [0] : vector<16xi32>, vector<16xi32> -> vector<16xi32>
      %broadcast_in_dim3A_131 = vector.shape_cast %rem3A_31 : vector<16xi32> to vector<16x1xi32>
      %gather3A_132 = vector.shape_cast %broadcast_in_dim3A_131 : vector<16x1xi32> to vector<16xi32>
      %gather3A_133 = tpu.dynamic_gather %get3A_127[%gather3A_132] in [0] : vector<16xi32>, vector<16xi32> -> vector<16xi32>
      %select_n3A_134 = arith.select %lt3A_33, %gather3A_130, %gather3A_133 : vector<16xi1>, vector<16xi32>
      %mul3A_135 = arith.constant 16 : i32
      %mul3A_136 = arith.muli %scan3A_54, %mul3A_135 : i32
      %swap3A_137 = arith.constant 2 : i32
      %swap3A_138 = arith.index_cast %swap3A_137 : i32 to index
      %swap3A_139 = arith.index_cast %mul3A_136 : i32 to index
      %swap3A_140 = tpu.vector_load %arg8[%swap3A_138, %swap3A_139] {strides = array<i32>} : memref<4x512xi32, #tpu.memory_space<vmem>>, vector<1x16xi32>,
      %swap3A_141 = vector.shape_cast %swap3A_140 : vector<1x16xi32> to vector<16xi32>
      %swap3A_142 = vector.shape_cast %select_n3A_134 : vector<16xi32> to vector<1x16xi32>
      tpu.vector_store %arg8[%swap3A_138, %swap3A_139], %swap3A_142 {strides = array<i32>} : memref<4x512xi32, #tpu.memory_space<vmem>>, vector<1x16xi32>,
      %mul3A_143 = arith.constant 16 : i32
      %mul3A_144 = arith.muli %scan3A_54, %mul3A_143 : i32
      %get3A_145 = arith.constant 3 : i32
      %get3A_146 = arith.index_cast %get3A_145 : i32 to index
      %get3A_147 = arith.index_cast %mul3A_144 : i32 to index
      %get3A_148 = tpu.vector_load %arg6[%get3A_146, %get3A_147] {strides = array<i32>} : memref<4x640xi32, #tpu.memory_space<vmem>>, vector<1x16xi32>,
      %get3A_149 = vector.shape_cast %get3A_148 : vector<1x16xi32> to vector<16xi32>
      %mul3A_150 = arith.constant 16 : i32
      %mul3A_151 = arith.muli %scan3A_54, %mul3A_150 : i32
      %add3A_152 = arith.constant 16 : i32
      %add3A_153 = arith.addi %mul3A_151, %add3A_152 : i32
      %get3A_154 = arith.constant 3 : i32
      %get3A_155 = arith.index_cast %get3A_154 : i32 to index
      %get3A_156 = arith.index_cast %add3A_153 : i32 to index
      %get3A_157 = tpu.vector_load %arg6[%get3A_155, %get3A_156] {strides = array<i32>} : memref<4x640xi32, #tpu.memory_space<vmem>>, vector<1x16xi32>,
      %get3A_158 = vector.shape_cast %get3A_157 : vector<1x16xi32> to vector<16xi32>
      %broadcast_in_dim3A_159 = vector.shape_cast %rem3A_31 : vector<16xi32> to vector<16x1xi32>
      %gather3A_160 = vector.shape_cast %broadcast_in_dim3A_159 : vector<16x1xi32> to vector<16xi32>
      %gather3A_161 = tpu.dynamic_gather %get3A_149[%gather3A_160] in [0] : vector<16xi32>, vector<16xi32> -> vector<16xi32>
      %broadcast_in_dim3A_162 = vector.shape_cast %rem3A_31 : vector<16xi32> to vector<16x1xi32>
      %gather3A_163 = vector.shape_cast %broadcast_in_dim3A_162 : vector<16x1xi32> to vector<16xi32>
      %gather3A_164 = tpu.dynamic_gather %get3A_158[%gather3A_163] in [0] : vector<16xi32>, vector<16xi32> -> vector<16xi32>
      %select_n3A_165 = arith.select %lt3A_33, %gather3A_161, %gather3A_164 : vector<16xi1>, vector<16xi32>
      %mul3A_166 = arith.constant 16 : i32
      %mul3A_167 = arith.muli %scan3A_54, %mul3A_166 : i32
      %swap3A_168 = arith.constant 3 : i32
      %swap3A_169 = arith.index_cast %swap3A_168 : i32 to index
      %swap3A_170 = arith.index_cast %mul3A_167 : i32 to index
      %swap3A_171 = tpu.vector_load %arg8[%swap3A_169, %swap3A_170] {strides = array<i32>} : memref<4x512xi32, #tpu.memory_space<vmem>>, vector<1x16xi32>,
      %swap3A_172 = vector.shape_cast %swap3A_171 : vector<1x16xi32> to vector<16xi32>
      %swap3A_173 = vector.shape_cast %select_n3A_165 : vector<16xi32> to vector<1x16xi32>
      tpu.vector_store %arg8[%swap3A_169, %swap3A_170], %swap3A_173 {strides = array<i32>} : memref<4x512xi32, #tpu.memory_space<vmem>>, vector<1x16xi32>,
    }
    %scan3A_38 = arith.constant 32 : i32
    %dma_start3A_39 = arith.constant 0 : i32
    %dma_start3A_40 = tpu.memref_slice %arg4[%dma_start3A_39, %mul3A_2] : memref<4x8192xi32, #tpu.memory_space<hbm>> -> memref<4x512xi32, #tpu.memory_space<hbm>>
    %dma_start3A_41 = arith.constant 0 : i32
    %dma_start3A_42 = tpu.memref_slice %arg4[%dma_start3A_41, %mul3A_2] : memref<4x8192xi32, #tpu.memory_space<hbm>> -> memref<4x512xi32, #tpu.memory_space<hbm>>
    tpu.enqueue_dma source(%arg8 : memref<4x512xi32, #tpu.memory_space<vmem>>) target(%dma_start3A_42 : memref<4x512xi32, #tpu.memory_space<hbm>>) target_semaphore(%arg10 : memref<!tpu.dma_semaphore, #tpu.memory_space<semaphore_mem>>)
    %dma_wait3A = arith.constant 0 : i32
    %dma_wait3A_43 = tpu.memref_slice %arg4[%dma_wait3A, %mul3A_2] : memref<4x8192xi32, #tpu.memory_space<hbm>> -> memref<4x512xi32, #tpu.memory_space<hbm>>
    %dma_wait3A_44 = arith.constant 0 : i32
    %dma_wait3A_45 = tpu.memref_slice %arg4[%dma_wait3A_44, %mul3A_2] : memref<4x8192xi32, #tpu.memory_space<hbm>> -> memref<4x512xi32, #tpu.memory_space<hbm>>
    tpu.wait_dma2 semaphore(%arg10 : memref<!tpu.dma_semaphore, #tpu.memory_space<semaphore_mem>>) src(%arg8 : memref<4x512xi32, #tpu.memory_space<vmem>>) dst(%dma_wait3A_45 : memref<4x512xi32, #tpu.memory_space<hbm>>)
    %dma_wait3A_46 = arith.constant 0 : i32
    %dma_wait3A_47 = tpu.memref_slice %arg4[%dma_wait3A_46, %mul3A_2] : memref<4x8192xi32, #tpu.memory_space<hbm>> -> memref<4x512xi32, #tpu.memory_space<hbm>>
    %dma_wait3A_48 = arith.constant 0 : i32
    %dma_wait3A_49 = tpu.memref_slice %arg4[%dma_wait3A_48, %mul3A_2] : memref<4x8192xi32, #tpu.memory_space<hbm>> -> memref<4x512xi32, #tpu.memory_space<hbm>>
    tpu.wait_dma2 semaphore(%arg10 : memref<!tpu.dma_semaphore, #tpu.memory_space<semaphore_mem>>) src(%arg8 : memref<4x512xi32, #tpu.memory_space<vmem>>) dst(%dma_wait3A_49 : memref<4x512xi32, #tpu.memory_space<hbm>>)
    %dma_wait3A_50 = arith.constant 0 : i32
    %dma_wait3A_51 = tpu.memref_slice %arg4[%dma_wait3A_50, %mul3A_2] : memref<4x8192xi32, #tpu.memory_space<hbm>> -> memref<4x512xi32, #tpu.memory_space<hbm>>
    %dma_wait3A_52 = arith.constant 0 : i32
    %dma_wait3A_53 = tpu.memref_slice %arg4[%dma_wait3A_52, %mul3A_2] : memref<4x8192xi32, #tpu.memory_space<hbm>> -> memref<4x512xi32, #tpu.memory_space<hbm>>
    tpu.wait_dma2 semaphore(%arg10 : memref<!tpu.dma_semaphore, #tpu.memory_space<semaphore_mem>>) src(%arg8 : memref<4x512xi32, #tpu.memory_space<vmem>>) dst(%dma_wait3A_53 : memref<4x512xi32, #tpu.memory_space<hbm>>)
    return
  }
}

</mosaic_0001>

<sc_bundles>
// kernel: kernel.3.cloned.1.call-start
scs
__scs_entry_jumppad:
0x0: {  	(pc) =	sbr.rel $0x88, $3  }
0x1: {  	(tag) =	ssettag $0x0;
	lr =	simm.s32 $0x1  }
0x2: {  	[smem:$0x3FA0] =	sst lr;
	_ =	strace $0xD0000000  }
0x3: {  	_ = 	snop  }
0x4: {  	_ = 	snop  }
0x5: {  	_ = 	snop  }
0x6: {  	_ = 	snop  }
0x7: {  	_ = 	snop  }
__scs_overlays_trampoline_lowered:
0x8: {  	[smem:$0x3FAF] =	sst s0  }
0x9: {  	[smem:$0x3FB0] =	sst s1  }
0xa: {  	[smem:$0x3FB1] =	sst s2  }
0xb: {  	[smem:$0x3FB2] =	sst s3  }
0xc: {  	[smem:$0x3FB3] =	sst s4  }
0xd: {  	[smem:$0x3FB4] =	sst s5  }
0xe: {  	[smem:$0x3FB5] =	sst s6  }
0xf: {  	[smem:$0x3FB6] =	sst s7  }
0x10: {  	[smem:$0x3FB7] =	sst s8  }
0x11: {  	[smem:$0x3FB8] =	sst s9;
	s0 =	simm.s32 @!p0 $0x0  }
0x12: {  	s1 =	sld [smem:$0x3F9E];
	s0 =	simm.s32 @p0 $0x1  }
0x13: {  	[smem:$0x3FB9] =	sst s0;
	s0 =	simm.s32 @!p1 $0x0  }
0x14: {  	s2 =	sld [smem:$0x3F9D];
	s0 =	simm.s32 @p1 $0x1  }
0x15: {  	[smem:$0x3FBA] =	sst s0;
	s0 =	simm.s32 @!p2 $0x0  }
0x16: {  	s3 =	sld [smem:$0x3FDB];
	s0 =	simm.s32 @p2 $0x1  }
0x17: {  	s4 =	simm.s32 $0x1BF5;
	[smem:$0x3FBC] =	sst s0  }
0x18: {  	s0 =	sld [smem:$0x3F9F];
	_ =	swait.ge [sflag:s4], $0x0  }
0x19: {  	s7 =	sld [smem:$0x3FA0]  }
0x1a: {  	s8 =	sadd.s32 $0xFFFFE003, lr  }
0x1b: {  	s9 =	sadd.s32 $0xFFFFFEF7, lr;
	s5 =	simm.s32 $0xFFFFFFFF;
	p2 =	slt.u32 s8, $0xFFFFF086  }
0x1c: {  	p1 =	slt.u32 s9, $0xF7A;
	s5 =	simm.s32 @!p2 $0x0  }
0x1d: {  	s5 =	simm.s32 @p1 $0x1;
	p0 =	seq.s32 s7, s2  }
0x1e: {  	s7 =	smul.u32 @!p0 $0xF7A, s2;
	p2 =	seq.s32 @!p0 s5, $0x0  }
0x1f: {  	s9 =	smul.u32 $0xF7A, s1;
	s8 =	simm.s32 @!p0 $0x1BF5;
	p2 =	por !p2, p0  }
0x20: {  	[sflag:s8] =	ssyncset.s32 @!p0 $0xFFFFF086;
	s6 =	sadd.s32 @!p0 s3, s7;
	s7 =	simm.s32 @!p0 $0x108  }
0x21: {  	s3 =	sadd.s32 s3, s9;
	s6 =	sadd.s32 @!p0 $0x88, s6;
	s7 =	simm.s32 @p2 $0x1082  }
0x22: {  	[simem:s7], [sflag:s8] =	dma.local @!p0 [hbm:s6], $0xF7A  }
0x23: {  	s9 =	sor.u32 $0xD0000000, s2;
	s6 =	simm.s32 $0x108;
	_ =	swait.ge @!p0 [sflag:s8], $0x0  }
0x24: {  	s3 =	sadd.s32 $0x88, s3;
	s6 =	simm.s32 @!p1 $0x1082;
	[sflag:s4] =	ssyncset.s32 $0xFFFFF086  }
0x25: {  	[simem:s6], [sflag:s4] =	dma.local [hbm:s3], $0xF7A  }
0x26: {  	[smem:$0x3FA0] =	sst s1;
	(tag) =	ssettag s2;
	_ =	strace s9  }
0x27: {  	s1 =	sld [smem:$0x3FB0]  }
0x28: {  	s2 =	sld [smem:$0x3FB1]  }
0x29: {  	s4 =	sld [smem:$0x3FB3]  }
0x2a: {  	p0 =	seq.s32 s5, $0x0;
	s5 =	sld [smem:$0x3FB4]  }
0x2b: {  	s6 =	sld [smem:$0x3FB5]  }
0x2c: {  	s7 =	sld [smem:$0x3FB6]  }
0x2d: {  	s3 =	simm.s32 $0x108;
	s8 =	sld [smem:$0x3FB7]  }
0x2e: {  	s3 =	simm.s32 @!p0 $0x1082;
	s9 =	sld [smem:$0x3FB8]  }
0x2f: {  	lr =	sadd.s32 s0, s3;
	s0 =	sld [smem:$0x3FAF]  }
0x30: {  	s3 =	sld [smem:$0x3FB2]  }
0x31: {  	[smem:$0x3FBB] =	sst s10  }
0x32: {  	s10 =	sld [smem:$0x3FB9];
	_ =	sdelay $0x3  }
0x33: {  	p0 =	seq.s32 s10, $0x1;
	s10 =	sld [smem:$0x3FBB];
	_ =	sdelay $0x3  }
0x34: {  	[smem:$0x3FBB] =	sst s10  }
0x35: {  	s10 =	sld [smem:$0x3FBA];
	_ =	sdelay $0x3  }
0x36: {  	p1 =	seq.s32 s10, $0x1;
	s10 =	sld [smem:$0x3FBB];
	_ =	sdelay $0x3  }
0x37: {  	[smem:$0x3FBB] =	sst s10  }
0x38: {  	s10 =	sld [smem:$0x3FBC]  }
0x39: {  	_ = 	snop;
	(pc) =	sbr.ind lr, $3  }
0x3a: {  	_ = 	snop  }
0x3b: {  	_ = 	snop  }
0x3c: {  	p2 =	seq.s32 s10, $0x1;
	s10 =	sld [smem:$0x3FBB]  }
0x3d: {  	_ =	shalt  }
0x3e: {  	_ =	shalt  }
0x3f: {  	_ =	shalt  }
0x40: {  	_ =	shalt  }
0x41: {  	_ =	shalt  }
0x42: {  	_ =	shalt  }
0x43: {  	_ =	shalt  }
0x44: {  	_ =	shalt  }
0x45: {  	_ =	shalt  }
0x46: {  	_ =	shalt  }
0x47: {  	_ =	shalt  }
0x48: {  	_ =	shalt  }
0x49: {  	_ =	shalt  }
0x4a: {  	_ =	shalt  }
0x4b: {  	_ =	shalt  }
0x4c: {  	_ =	shalt  }
0x4d: {  	_ =	shalt  }
0x4e: {  	_ =	shalt  }
0x4f: {  	_ =	shalt  }
0x50: {  	_ =	shalt  }
0x51: {  	_ =	shalt  }
0x52: {  	_ =	shalt  }
0x53: {  	_ =	shalt  }
0x54: {  	_ =	shalt  }
0x55: {  	_ =	shalt  }
0x56: {  	_ =	shalt  }
0x57: {  	_ =	shalt  }
0x58: {  	_ =	shalt  }
0x59: {  	_ =	shalt  }
0x5a: {  	_ =	shalt  }
0x5b: {  	_ =	shalt  }
0x5c: {  	_ =	shalt  }
0x5d: {  	_ =	shalt  }
0x5e: {  	_ =	shalt  }
0x5f: {  	_ =	shalt  }
0x60: {  	_ =	shalt  }
0x61: {  	_ =	shalt  }
0x62: {  	_ =	shalt  }
0x63: {  	_ =	shalt  }
0x64: {  	_ =	shalt  }
0x65: {  	_ =	shalt  }
0x66: {  	_ =	shalt  }
0x67: {  	_ =	shalt  }
0x68: {  	_ =	shalt  }
0x69: {  	_ =	shalt  }
0x6a: {  	_ =	shalt  }
0x6b: {  	_ =	shalt  }
0x6c: {  	_ =	shalt  }
0x6d: {  	_ =	shalt  }
0x6e: {  	_ =	shalt  }
0x6f: {  	_ =	shalt  }
0x70: {  	_ =	shalt  }
0x71: {  	_ =	shalt  }
0x72: {  	_ =	shalt  }
0x73: {  	_ =	shalt  }
0x74: {  	_ =	shalt  }
0x75: {  	_ =	shalt  }
0x76: {  	_ =	shalt  }
0x77: {  	_ =	shalt  }
0x78: {  	_ =	shalt  }
0x79: {  	_ =	shalt  }
0x7a: {  	_ =	shalt  }
0x7b: {  	_ =	shalt  }
0x7c: {  	_ =	shalt  }
0x7d: {  	_ =	shalt  }
0x7e: {  	_ =	shalt  }
0x7f: {  	_ =	shalt  }
0x80: {  	_ =	shalt  }
0x81: {  	_ =	shalt  }
0x82: {  	_ =	shalt  }
0x83: {  	_ =	shalt  }
0x84: {  	_ =	shalt  }
0x85: {  	_ =	shalt  }
0x86: {  	_ =	shalt  }
0x87: {  	_ =	shalt  }
.Lfunc_end0:
.L_simem_size_0:
called_computation_lowered:
.L_overlay_start_0:
0x88: {  	s0 =	sld [smem:$0x3FD9]  }
0x89: {  	s1 =	sld [smem:$0x3FFE];
	_ =	sdelay $0x3  }
0x8a: {  	s0 =	sadd.s32 s1, s0  }
0x8b: {  	[smem:$0x3FC7] =	sst s0  }
0x8c: {  	_ = 	snop  }
0x8d: {  	s0 =	sld [smem:$0x3FD0];
	_ =	sdelay $0x2  }
0x8e: {  	s2 =	simm.s32 $0xA;
	s3 =	simm.s32 $0x10;
	s14 =	sld [smem:$0x3FC9]  }
0x8f: {  	[smem:s3], [sflag:s2] =	dma.local [hbm:s0], $0x1  }
0x90: {  	_ =	swait.eq [sflag:s2], $0x1  }
0x91: {  	s15 =	sld [smem:$0x10];
	[sflag:s2] =	ssyncset.done $0x0  }
0x92: {  	s16 =	sld [smem:$0x11];
	[sflag:s2] =	ssyncadd.s32 $0xFFFFFFFF  }
0x93: {  	s17 =	sld [smem:$0x12];
	(tm) =	ssettm $0x1  }
0x94: {  	s4 =	sld [smem:$0x3FFB];
	_ =	sdelay $0x3  }
0x95: {  	_ =	strace s4  }
0x96: {  	s4 =	sld [smem:$0x3FFC];
	_ =	sdelay $0x3  }
0x97: {  	_ =	strace s4  }
0x98: {  	s4 =	sld [smem:$0x3FFD];
	_ =	sdelay $0x3  }
0x99: {  	_ =	strace s4  }
0x9a: {  	_ =	strace $0x8FFFFFFF  }
0x9b: {  	s18 =	sld [smem:$0x3FDB];
	_ =	sdelay $0x1  }
0x9c: {  	s5 =	simm.s32 $_scs_section_size  }
0x9d: {  	s6 =	simm.s32 $_size__tile_overlayer_lowered;
	s7 =	simm.s32 $_tile_overlayer_lowered  }
0x9e: {  	s21 =	simm.s32 $0x1BFF;
	s20 =	sshll.u32 s7, $0x1;
	s4 =	sadd.s32 s5, s18  }
0x9f: {  	s8 =	simm.s32 $0x0;
	s19 =	sshll.u32 s6, $0x1;
	s6 =	sadd.s32 s20, s4  }
0xa0: {  	[timem:s8], [sflag:s21] =	dma.local [hbm:s6], s19  }
0xa1: {  	_ =	swait.ge [sflag:s21], s19  }
0xa2: {  	s5 =	ssub.s32 $0x0, s19;
	[sflag:s21] =	ssyncset.done $0x0  }
0xa3: {  	[sflag:s21] =	ssyncadd.s32 s5;
	_ =	sdelay $0x1  }
0xa4: {  	s22 =	simm.s32 $0x1B8B  }
0xa5: {  	_ =	swait.ge [sflag:s22], $0x1  }
0xa6: {  	[sflag:s22] =	ssyncset.done $0x0  }
0xa7: {  	s23 =	simm.s32 $0x1B8E;
	[sflag:s22] =	ssyncadd.s32 $0xFFFFFFFF  }
0xa8: {  	s24 =	simm.s32 $execute0_lowered;
	[smem:$0x3FD2] =	sst s23  }
0xa9: {  	s5 =	sshll.u32 s24, $0x1;
	_ =	strace $0x80000046;
	[dreg:$0x1] =	wrdreg $0xFFFFFFFF  }
0xaa: {  	s25 =	simm.s32 $_size_execute0_lowered;
	s4 =	sadd.s32 s4, s5;
	[dreg:$0x0] =	wrdreg $0x0  }
0xab: {  	s5 =	sshll.u32 s25, $0x1;
	[dreg:$0x2] =	wrdreg s4  }
0xac: {  	[dreg:$0x3] =	wrdreg s5  }
0xad: {  	[dreg:$0x4] =	wrdreg $0xC0  }
0xae: {  	_ =	task [dreg:s8], $0x5FFFF  }
0xaf: {  	[dreg:$0x1] =	wrdreg $0xFFFFFFFF  }
0xb0: {  	[dreg:$0x0] =	wrdreg $0x60  }
0xb1: {  	[dreg:$0x2] =	wrdreg s14  }
0xb2: {  	[dreg:$0x3] =	wrdreg s15  }
0xb3: {  	[dreg:$0x4] =	wrdreg s16  }
0xb4: {  	[dreg:$0x5] =	wrdreg s17  }
0xb5: {  	[dreg:$0x6] =	wrdreg $0x9  }
0xb6: {  	_ =	task.clear_ibuf [dreg:s8], $0x7FFFF;
	_ =	strace $0x90000046  }
0xb7: {  	s26 =	simm.s32 $0x9;
	_ =	strace $0x80000048  }
0xb8: {  	_ =	swait.ge [sflag:s26], $0x1  }
0xb9: {  	[sflag:s26] =	ssyncadd.s32 $0xFFFFFFFF  }
0xba: {  	_ =	strace $0x90000048  }
0xbb: {  	_ =	sfence  }
0xbc: {  	s28 =	sld [smem:$0x0];
	_ =	sdelay $0x1  }
0xbd: {  	s29 =	srdreg.scid  }
0xbe: {  	s30 =	sshll.u32 s29, $0xD;
	s31 =	sshrl.u32 s29, $0x2  }
0xbf: {  	s1 =	sand.u32 $0x1, s29;
	s2 =	sand.u32 $0x4000, s30;
	s0 =	sadd.s32 s31, s28  }
0xc0: {  	s1 =	sor.u32 s2, s1;
	s0 =	sshll.u32 s0, $0x11  }
0xc1: {  	s0 =	sor.u32 s0, s1  }
0xc2: {  	s0 =	sadd.s32 $0x8F2B, s0  }
0xc3: {  	[sflag:s0] =	ssyncadd.remote.s32 $0x1  }
0xc4: {  	_ =	sfence.sel $0xFFFF  }
0xc5: {  	[dreg:$0x0] =	wrdreg $0xFFFFFFFF;
	(pc) =	sbr.abs _section_cstart, $3  }
0xc6: {  	[dreg:$0x1] =	wrdreg $0xFFFFFFFF  }
0xc7: {  	_ =	task.clear_ibuf [dreg:s8], $0x2FFFF;
	_ =	strace $0x9FFFFFFF  }
0xc8: {  	(tm) =	ssettm $0x7FFFFFFF  }
0xc9: {  	_ =	shalt  }
tec
execute0_lowered:
.L_overlay_start_1:
0x0: {  	(tag) =	ssettag $0x1  }
0x1: {  	s2 =	rddreg [dreg:$0x0]  }
0x2: {  	s4 =	rddreg [dreg:$0x1]  }
0x3: {  	s3 =	rddreg [dreg:$0x2];
	s1 =	stileid.u32  }
0x4: {  	s7 =	rddreg [dreg:$0x3];
	s5 =	simm.s32 $0x0;
	p0 =	seq.s32 s1, $0xF  }
0x5: {  	[smem:$0x7FF] =	sst s5;
	v0 =	vimm.s32 @p0 $0xFFFFFF9C  }
0x6: {  	s0 =	rddreg [dreg:$0x4];
	_ =	strace $0x80000047;
	[tilespmem:$0x800] =	vst @p0 v0  }
0x7: {  	[tilespmem:$0x880] =	vst @p0 v0  }
0x8: {  	[tilespmem:$0x900] =	vst @p0 v0  }
0x9: {  	s6 =	sadd.s32 @p0 $0xF00, s2;
	s8 =	simm.s32 @p0 $0x0;
	[tilespmem:$0x980] =	vst @p0 v0  }
0xa: {  	[tilespmem:s8], [sflag:$0x1] =	stream.linear.gather @p0 [hbm4b:s6+s8], $0x800, $0x38;
	[tilespmem:$0x1A00] =	vst v63  }
0xb: {  	s8 =	simm.s32 @p0 $0x1  }
0xc: {  	_ =	swait.ge @p0 [sflag:s8], $0x800  }
0xd: {  	s6 =	sshll.u32 s1, $0x8;
	[sflag:s8] =	ssyncset.done @p0 $0x0  }
0xe: {  	s2 =	sadd.s32 @!p0 s2, s6;
	[sflag:s8] =	ssyncadd.s32 @p0 $0xFFFFF800;
	s8 =	simm.s32 @!p0 $0x0  }
0xf: {  	[tilespmem:s8], [sflag:$0x1] =	stream.linear.gather @!p0 [hbm4b:s2+s8], $0xA00, $0x38;
	[tilespmem:$0x1A00] =	vst v63  }
0x10: {  	s2 =	simm.s32 @!p0 $0x1  }
0x11: {  	_ =	swait.ge @!p0 [sflag:s2], $0xA00  }
0x12: {  	[sflag:s2] =	ssyncset.done @!p0 $0x0  }
0x13: {  	[sflag:s2] =	ssyncadd.s32 @!p0 $0xFFFFF600;
	p0 =	sgt.u32 s1, $0x7  }
.Ltmp0:
0x14: {  	_ = 	snop;
	(pc) =	sbr.rel @p0 .LBB2_4-.Ltmp0, $4  }
0x15: {  	_ = 	snop  }
0x16: {  	s4 =	sadd.s32 s4, s6  }
0x17: {  	[hbm4b:s4+s5] =	stream.linear.scatter [tilespmem:s5], [sflag:$0x2], $0x800, $0x38;
	[tilespmem:$0x1A00] =	vst v63  }
0x18: {  	s2 =	sadd.s32 s7, s6;
	s4 =	simm.s32 $0x0  }
0x19: {  	s4 =	sand.u32 $0x70, s5;
	s7 =	sand.u32 $0x600, s5  }
0x1a: {  	v0 =	vimm.s32 $0xFFFFFF9C;
	s8 =	sor.u32 s4, s7  }
0x1b: {  	[tilespmem:s8+$0xB80] =	vst v0  }
0x1c: {  	[tilespmem:s8+$0xA00] =	vst v0  }
0x1d: {  	s4 =	simm.s32 $0x10;
	s7 =	simm.s32 $0x0;
	[tilespmem:s8+$0xA80] =	vst v0  }
.LBB2_2:
0x1e: {  	s9 =	sand.u32 $0x70, s4;
	[tilespmem:s8+$0xB00] =	vst v0;
	s7 =	sadd.s32 $0x40, s7;
	p0 =	sne.s32 s4, $0x1F0  }
.Ltmp1:
0x1f: {  	s4 =	sadd.s32 $0x10, s4;
	s8 =	sand.u32 $0x600, s7;
	(pc) =	sbr.rel @p0 .LBB2_2-.Ltmp1, $4  }
0x20: {  	s8 =	sor.u32 s9, s8  }
0x21: {  	[tilespmem:s8+$0xB80] =	vst v0  }
0x22: {  	[tilespmem:s8+$0xA00] =	vst v0  }
0x23: {  	[tilespmem:s8+$0xA80] =	vst v0  }
0x24: {  	[tilespmem:s8+$0xB00] =	vst v0;
	s4 =	simm.s32 $0xA00  }
.LBB2_4:
0x25: {  	[hbm4b:s2+s5] =	stream.linear.scatter [tilespmem:s4], [sflag:$0x2], $0x800, $0x38;
	[tilespmem:$0x1A00] =	vst v63  }
0x26: {  	s7 =	sand.u32 $0x70, s5  }
0x27: {  	v0 =	vimm.s32 $0xFEDCBA9;
	v1 =	vimm.s32 $0x87654321;
	s9 =	simm.s32 $0x10;
	s8 =	sand.u32 $0x600, s5;
	s2 =	simm.s32 $0x40  }
0x28: {  	v0 =	vunpack.c.l.s4.s8 v0;
	v1 =	vunpack.c.l.s4.s8 v1;
	s4 =	sand.u32 $0x70, s9;
	s7 =	sor.u32 s7, s8;
	s10 =	sand.u32 $0xE00, s2  }
0x29: {  	v2 =	vld [tilespmem:s7+$0x0];
	s10 =	sor.u32 s4, s10  }
0x2a: {  	v0 =	vunpack.c.0.s8.s32 v0;
	v1 =	vunpack.c.0.s8.s32 v1;
	v3 =	vld [tilespmem:s10+$0x0];
	_ =	sdelay $0x1  }
0x2b: {  	v0 =	vcombine.low v1, v0;
	_ =	sdelay $0x1  }
0x2c: {  	v0 =	vand.u32 $0xF, v0  }
0x2d: {  	v1 =	vperm.xlane v2, v0;
	v2 =	vperm.xlane v3, v0  }
0x2e: {  	vm0 =	vmmov $0x7fff  }
0x2f: {  	v1 =	vsel vm0, v1, v2  }
0x30: {  	[tilespmem:s7+$0x1200] =	vst v1;
	v1 =	vld [tilespmem:s7+$0x80]  }
0x31: {  	v2 =	vld [tilespmem:s10+$0x80];
	_ =	sdelay $0x4  }
0x32: {  	v1 =	vperm.xlane v1, v0;
	v2 =	vperm.xlane v2, v0;
	_ =	sdelay $0x1  }
0x33: {  	v1 =	vsel vm0, v1, v2  }
0x34: {  	[tilespmem:s7+$0x1280] =	vst v1;
	v1 =	vld [tilespmem:s7+$0x100]  }
0x35: {  	v2 =	vld [tilespmem:s10+$0x100];
	_ =	sdelay $0x4  }
0x36: {  	v1 =	vperm.xlane v1, v0;
	v2 =	vperm.xlane v2, v0;
	_ =	sdelay $0x1  }
0x37: {  	v1 =	vsel vm0, v1, v2  }
0x38: {  	s5 =	sor.u32 s8, s5;
	[tilespmem:s7+$0x1300] =	vst v1  }
0x39: {  	s8 =	sor.u32 $0x180, s5;
	v1 =	vld [tilespmem:s10+$0x180]  }
0x3a: {  	v2 =	vld [tilespmem:s8+$0x0];
	_ =	sdelay $0x3  }
0x3b: {  	s7 =	sand.u32 $0x600, s2;
	s10 =	simm.s32 $0x20  }
0x3c: {  	s3 =	sadd.s32 s3, s6;
	s5 =	sor.u32 s7, s9;
	s9 =	sand.u32 $0x70, s10;
	v1 =	vperm.xlane v1, v0;
	v2 =	vperm.xlane v2, v0  }
.LBB2_5:
0x3d: {  	s11 =	sand.u32 $0x70, s10  }
0x3e: {  	s2 =	sadd.s32 $0x40, s2;
	v1 =	vsel vm0, v2, v1;
	s12 =	smov.u32 s10;
	s6 =	sadd.s32 $0x10, s10  }
0x3f: {  	s13 =	sor.u32 s4, s7;
	s7 =	sand.u32 $0x600, s2;
	s4 =	sand.u32 $0xE00, s2;
	[tilespmem:s8+$0x1200] =	vst v1  }
0x40: {  	p0 =	sne.s32 s10, $0x1F0;
	s12 =	sor.u32 s7, s12;
	v1 =	vld [tilespmem:s13+$0x0];
	s9 =	sor.u32 s9, s4  }
0x41: {  	s4 =	smov.u32 s11;
	v2 =	vld [tilespmem:s9+$0x0];
	_ =	sdelay $0x3  }
0x42: {  	v1 =	vperm.xlane v1, v0  }
0x43: {  	v2 =	vperm.xlane v2, v0;
	_ =	sdelay $0x1  }
0x44: {  	v1 =	vsel vm0, v1, v2  }
0x45: {  	[tilespmem:s13+$0x1200] =	vst v1;
	v1 =	vld [tilespmem:s13+$0x80]  }
0x46: {  	v2 =	vld [tilespmem:s9+$0x80];
	_ =	sdelay $0x4  }
0x47: {  	v1 =	vperm.xlane v1, v0;
	v2 =	vperm.xlane v2, v0;
	_ =	sdelay $0x1  }
0x48: {  	v1 =	vsel vm0, v1, v2  }
0x49: {  	[tilespmem:s13+$0x1280] =	vst v1;
	v1 =	vld [tilespmem:s13+$0x100]  }
0x4a: {  	v2 =	vld [tilespmem:s9+$0x100];
	_ =	sdelay $0x4  }
0x4b: {  	v1 =	vperm.xlane v1, v0;
	v2 =	vperm.xlane v2, v0;
	_ =	sdelay $0x1  }
0x4c: {  	v1 =	vsel vm0, v1, v2  }
0x4d: {  	s8 =	sor.u32 $0x180, s5;
	s5 =	smov.u32 s12;
	[tilespmem:s13+$0x1300] =	vst v1  }
0x4e: {  	v1 =	vld [tilespmem:s9+$0x180]  }
0x4f: {  	v2 =	vld [tilespmem:s8+$0x0];
	_ =	sdelay $0x1  }
.Ltmp2:
0x50: {  	(pc) =	sbr.rel @p0 .LBB2_5-.Ltmp2, $4  }
0x51: {  	_ = 	snop  }
0x52: {  	v1 =	vperm.xlane v1, v0  }
0x53: {  	v2 =	vperm.xlane v2, v0  }
0x54: {  	s10 =	smov.u32 s6;
	s9 =	sand.u32 $0x70, s6  }
0x55: {  	s2 =	sadd.s32 $0x40, s2;
	v1 =	vsel vm0, v2, v1  }
0x56: {  	s4 =	sor.u32 s4, s7;
	s2 =	sand.u32 $0xE00, s2;
	[tilespmem:s8+$0x1200] =	vst v1  }
0x57: {  	v1 =	vld [tilespmem:s4+$0x0];
	s2 =	sor.u32 s9, s2  }
0x58: {  	v57 =	vld [tilespmem:s2+$0x0];
	_ =	sdelay $0x4  }
0x59: {  	v1 =	vperm.xlane v1, v0;
	v2 =	vperm.xlane v57, v0;
	_ =	sdelay $0x1  }
0x5a: {  	v1 =	vsel vm0, v1, v2  }
0x5b: {  	v58 =	vld [tilespmem:s4+$0x80];
	[tilespmem:s4+$0x1200] =	vst v1  }
0x5c: {  	v59 =	vld [tilespmem:s2+$0x80];
	_ =	sdelay $0x4  }
0x5d: {  	v1 =	vperm.xlane v58, v0;
	v2 =	vperm.xlane v59, v0;
	_ =	sdelay $0x1  }
0x5e: {  	v1 =	vsel vm0, v1, v2  }
0x5f: {  	v60 =	vld [tilespmem:s4+$0x100];
	[tilespmem:s4+$0x1280] =	vst v1  }
0x60: {  	v61 =	vld [tilespmem:s2+$0x100];
	_ =	sdelay $0x4  }
0x61: {  	v1 =	vperm.xlane v60, v0;
	v2 =	vperm.xlane v61, v0;
	_ =	sdelay $0x1  }
0x62: {  	v1 =	vsel vm0, v1, v2  }
0x63: {  	[tilespmem:s4+$0x1300] =	vst v1  }
0x64: {  	s28 =	sor.u32 $0x180, s5;
	v1 =	vld [tilespmem:s2+$0x180]  }
0x65: {  	v62 =	vld [tilespmem:s28+$0x0];
	_ =	sdelay $0x4  }
0x66: {  	v1 =	vperm.xlane v1, v0;
	v63 =	vperm.xlane v62, v0;
	_ =	sdelay $0x1  }
0x67: {  	v0 =	vsel vm0, v63, v1  }
0x68: {  	s29 =	simm.s32 $0x0;
	s30 =	simm.s32 $0x1200;
	s31 =	simm.s32 $0x2;
	[tilespmem:s28+$0x1200] =	vst v0  }
0x69: {  	[hbm4b:s3+s29] =	stream.linear.scatter [tilespmem:s30], [sflag:$0x2], $0x800, $0x38;
	[tilespmem:$0x1A00] =	vst v63  }
0x6a: {  	_ =	swait.ge [sflag:s31], $0x800  }
0x6b: {  	[sflag:s31] =	ssyncset.done $0x0  }
0x6c: {  	[sflag:s31] =	ssyncadd.s32 $0xFFFFF800  }
0x6d: {  	_ =	swait.ge [sflag:s31], $0x800  }
0x6e: {  	[sflag:s31] =	ssyncset.done $0x0  }
0x6f: {  	[sflag:s31] =	ssyncadd.s32 $0xFFFFF800  }
0x70: {  	_ =	swait.ge [sflag:s31], $0x800  }
0x71: {  	[sflag:s31] =	ssyncset.done $0x0  }
0x72: {  	[sflag:s31] =	ssyncadd.s32 $0xFFFFF800  }
0x73: {  	_ =	sfence.sel $0x180000  }
0x74: {  	[bflag:$0x0] =	sbarrier.arrive $0xFFFF  }
0x75: {  	p0 =	sne.s32 s1, $0x0;
	_ =	strace $0x90000047  }
0x76: {  	s0 =	sadd.s32 @!p0 $0x100000, s0;
	[bflag:$0x2] =	sbarrier.arrive $0xFFFF  }
0x77: {  	[sflag:s0] =	ssyncadd.tile.s32 @!p0 $0x1;
	_ =	shalt  }
.Lfunc_end2:
_tile_overlayer_lowered:
.L_overlay_start_2:
0x78: {  	(tag) =	ssettag $0x2  }
0x79: {  	s0 =	rddreg [dreg:$0x0];
	s2 =	stileid.u32  }
0x7a: {  	s1 =	rddreg [dreg:$0x1];
	p0 =	sne.s32 s2, $0x0  }
0x7b: {  	s3 =	rddreg [dreg:$0x2];
	[bflag:$0x3] =	sbarrier.arrive $0xFFFF;
	s2 =	simm.s32 @!p0 $0x1C03  }
0x7c: {  	[timem:s3], [sflag:s2] =	dma.local @!p0 [hbm:s0], s1  }
0x7d: {  	s0 =	simm.s32 @!p0 $0x3  }
0x7e: {  	_ =	swait.ge @!p0 [sflag:s0], s1  }
0x7f: {  	s1 =	ssub.s32 @!p0 $0x0, s1;
	[sflag:s0] =	ssyncset.done @!p0 $0x0  }
0x80: {  	[sflag:s0] =	ssyncadd.s32 @!p0 s1  }
0x81: {  	[bflag:$0x3] =	sbarrier.arrive $0xFFFF  }
0x82: {  	_ =	shalt  }

</sc_bundles>
